<compile_context>
chip_gen: v7x
topology: tpu7x:2x2x1
jax: 0.10.2.dev20260603
libtpu: 0.0.44.dev20260713+nightly
codegen_flags: <defaults>
</compile_context>

<pallas_src>
import jax
import jax.numpy as jnp
from jax.experimental import pallas as pl
from jax.experimental.pallas import tpu as pltpu

_N = 5000
_B = 512
_NP = 5120
_K = _NP // _B
_NMS_THRESH = 0.5


def _nms_body(rx1, ry1, rx2, ry2, rarea,
              cx1, cy1, cx2, cy2, carea,
              data,
              out,
              sup):
    k = pl.program_id(0)

    @pl.when(k == 0)
    def _():
        sup[...] = jnp.zeros_like(sup)

    c0 = k * _B

    def s_block(a, masked):
        x1r = rx1[pl.ds(a, _B), :]
        y1r = ry1[pl.ds(a, _B), :]
        x2r = rx2[pl.ds(a, _B), :]
        y2r = ry2[pl.ds(a, _B), :]
        ar = rarea[pl.ds(a, _B), :]
        x1c = cx1[:, pl.ds(c0, _B)]
        y1c = cy1[:, pl.ds(c0, _B)]
        x2c = cx2[:, pl.ds(c0, _B)]
        y2c = cy2[:, pl.ds(c0, _B)]
        ac = carea[:, pl.ds(c0, _B)]
        wx = jnp.clip(jnp.minimum(x2r, x2c) - jnp.maximum(x1r, x1c), 0.0)
        wy = jnp.clip(jnp.minimum(y2r, y2c) - jnp.maximum(y1r, y1c), 0.0)
        inter = wx * wy
        union = ar + ac - inter
        iou = inter / jnp.maximum(union, 1e-9)
        hit = iou > _NMS_THRESH
        if masked:
            jidx = a + jax.lax.broadcasted_iota(jnp.int32, (_B, _B), 0)
            iidx = c0 + jax.lax.broadcasted_iota(jnp.int32, (_B, _B), 1)
            hit = hit & (jidx > iidx)
        return jnp.where(hit, 1.0, 0.0)

    out[pl.ds(c0, _B), :] = data[pl.ds(c0, _B), :]
    return
    s_kk = s_block(c0, masked=True)
    alive = sup[pl.ds(c0, _B), :] < 0.5
    keep0 = jnp.where(alive, 1.0, 0.0)

    def jcond(c):
        return c[1]

    def jbody(c):
        keep, _ = c
        cnt = jax.lax.dot_general(
            s_kk, keep, (((1,), (0,)), ((), ())),
            preferred_element_type=jnp.float32)
        keep_n = jnp.where(alive & (cnt < 0.5), 1.0, 0.0)
        return keep_n, jnp.any(keep_n != keep)

    keep, _ = jax.lax.while_loop(jcond, jbody, (keep0, jnp.array(True)))

    def pbody(m, _):
        a = m * _B
        cnt = jax.lax.dot_general(
            s_block(a, masked=False), keep, (((1,), (0,)), ((), ())),
            preferred_element_type=jnp.float32)
        sup[pl.ds(a, _B), :] += cnt
        return 0

    jax.lax.fori_loop(k + 1, _K, pbody, 0)

    out[pl.ds(c0, _B), :] = data[pl.ds(c0, _B), :] * keep


def kernel(boxes, scores, classes):
    scores = scores.astype(jnp.float32)
    max_coord = jnp.max(boxes) + 1.0
    iota = jnp.arange(_N, dtype=jnp.int32)
    order = iota
    s = scores
    table = jnp.concatenate(
        [boxes, classes.astype(jnp.float32)[:, None]], axis=1)
    g = table[order]
    ob = g[:, :4]
    boff = ob + (g[:, 4] * max_coord)[:, None]

    pad = _NP - _N
    bp = jnp.pad(boff, ((0, pad), (0, 0)))
    obp = jnp.pad(ob, ((0, pad), (0, 0)))
    sp = jnp.pad(s, (0, pad))
    area = (bp[:, 2] - bp[:, 0]) * (bp[:, 3] - bp[:, 1])

    rowdat = jnp.concatenate([bp, area[:, None]], axis=1)
    coldat = rowdat.T
    rows = [rowdat[:, i:i + 1] for i in range(5)]
    cols = [coldat[i:i + 1, :] for i in range(5)]
    data = jnp.concatenate(
        [obp, sp[:, None], jnp.zeros((_NP, 3), jnp.float32)], axis=1)

    full_rc = pl.BlockSpec((_NP, 1), lambda k: (0, 0))
    full_cc = pl.BlockSpec((1, _NP), lambda k: (0, 0))
    full_d = pl.BlockSpec((_NP, 8), lambda k: (0, 0))

    out = pl.pallas_call(
        _nms_body,
        grid=(_K,),
        in_specs=[full_rc] * 5 + [full_cc] * 5 + [full_d],
        out_specs=full_d,
        out_shape=jax.ShapeDtypeStruct((_NP, 8), jnp.float32),
        scratch_shapes=[pltpu.VMEM((_NP, 1), jnp.float32)],
        compiler_params=pltpu.CompilerParams(
            dimension_semantics=("arbitrary",)),
    )(*rows, *cols, data)

    return out[:_N, :5]

# --- scband reference (transcript-rebuilt; emitter-appended) ---
"""Pipeline reference for scband-nuscenes-dd3-dwith-tta-46325517254860 (READ-ONLY COPY).

The authoritative reference and input builder live on the scoring server;
editing this copy changes nothing except your own understanding.
"""

import jax, jax.numpy as jnp
import numpy as np

NMS_THRESH = 0.5
NUM_CLASSES = 10
N = 5000


def setup_inputs(seed: int = 0) -> dict:
    key = jax.random.key(seed)
    k1, k2, k3, k4, k5 = jax.random.split(key, 5)
    # realistic nuscenes-style boxes on a 1600x900 image, xyxy format
    cx = jax.random.uniform(k1, (N,), minval=0.0, maxval=1600.0)
    cy = jax.random.uniform(k2, (N,), minval=0.0, maxval=900.0)
    wh = jax.random.uniform(k3, (N, 2), minval=10.0, maxval=200.0)
    boxes = jnp.stack([cx - wh[:, 0] / 2, cy - wh[:, 1] / 2,
                       cx + wh[:, 0] / 2, cy + wh[:, 1] / 2], axis=1).astype(jnp.float32)
    scores = jax.random.uniform(k4, (N,), dtype=jnp.float32)
    classes = jax.random.randint(k5, (N,), 0, NUM_CLASSES, dtype=jnp.int64)
    return {"boxes": boxes, "scores": scores, "classes": classes}


def _pairwise_iou(b):
    area = (b[:, 2] - b[:, 0]) * (b[:, 3] - b[:, 1])
    lt = jnp.maximum(b[:, None, :2], b[None, :, :2])
    rb = jnp.minimum(b[:, None, 2:], b[None, :, 2:])
    wh = jnp.clip(rb - lt, 0.0)
    inter = wh[..., 0] * wh[..., 1]
    union = area[:, None] + area[None, :] - inter
    return inter / jnp.maximum(union, 1e-9)


def reference(boxes, scores, classes):
    # class-aware (batched) NMS: offset boxes per-class so cross-class boxes never overlap
    n = boxes.shape[0]
    max_coord = jax.lax.stop_gradient(jnp.max(boxes)) + 1.0
    offsets = classes.astype(boxes.dtype) * max_coord
    boxes_off = boxes + offsets[:, None]
    order = jnp.argsort(-scores)
    b_sorted = boxes_off[order]
    s_sorted = scores[order]
    orig_sorted = boxes[order]
    iou = jax.lax.stop_gradient(_pairwise_iou(b_sorted))
    idx = jnp.arange(n)

    def body(i, keep):
        keep_i = keep[i]
        sup = (iou[i] > NMS_THRESH) & (idx > i) & keep_i
        return keep & (~sup)

    keep = jax.lax.fori_loop(0, n, body, jnp.ones(n, dtype=bool))
    maskf = keep.astype(boxes.dtype)
    # fixed-shape output: surviving boxes/scores in score order, suppressed rows zeroed
    out = jnp.concatenate([orig_sorted * maskf[:, None], (s_sorted * maskf)[:, None]], axis=1)
    return out

if __name__ == "__main__":
    import jax
    _d = setup_inputs()
    print(jax.jit(kernel)(*tuple(_d.values())))

</pallas_src>

<mosaic_0001>
module attributes {stable_mosaic.version = 14 : i64} {
  func.func @_nms_body(%arg0: i32, %arg1: memref<5120x1xf32, #tpu.memory_space<vmem>>, %arg2: memref<5120x1xf32, #tpu.memory_space<vmem>>, %arg3: memref<5120x1xf32, #tpu.memory_space<vmem>>, %arg4: memref<5120x1xf32, #tpu.memory_space<vmem>>, %arg5: memref<5120x1xf32, #tpu.memory_space<vmem>>, %arg6: memref<1x5120xf32, #tpu.memory_space<vmem>>, %arg7: memref<1x5120xf32, #tpu.memory_space<vmem>>, %arg8: memref<1x5120xf32, #tpu.memory_space<vmem>>, %arg9: memref<1x5120xf32, #tpu.memory_space<vmem>>, %arg10: memref<1x5120xf32, #tpu.memory_space<vmem>>, %arg11: memref<5120x8xf32, #tpu.memory_space<vmem>>, %arg12: memref<5120x8xf32, #tpu.memory_space<vmem>>, %arg13: memref<5120x1xf32, #tpu.memory_space<vmem>>) attributes {dimension_semantics = [#tpu.dimension_semantics<arbitrary>], iteration_bounds = array<i64: 10>, scalar_prefetch = 0 : i64, scratch_operands = 1 : i64, tpu.core_type = #tpu.core_type<tc>, window_params = [{pipeline_mode = #tpu.pipeline_mode<synchronous>, transform_indices = @transform_0, window_bounds = array<i64: 5120, 1>}, {pipeline_mode = #tpu.pipeline_mode<synchronous>, transform_indices = @transform_1, window_bounds = array<i64: 5120, 1>}, {pipeline_mode = #tpu.pipeline_mode<synchronous>, transform_indices = @transform_2, window_bounds = array<i64: 5120, 1>}, {pipeline_mode = #tpu.pipeline_mode<synchronous>, transform_indices = @transform_3, window_bounds = array<i64: 5120, 1>}, {pipeline_mode = #tpu.pipeline_mode<synchronous>, transform_indices = @transform_4, window_bounds = array<i64: 5120, 1>}, {pipeline_mode = #tpu.pipeline_mode<synchronous>, transform_indices = @transform_5, window_bounds = array<i64: 1, 5120>}, {pipeline_mode = #tpu.pipeline_mode<synchronous>, transform_indices = @transform_6, window_bounds = array<i64: 1, 5120>}, {pipeline_mode = #tpu.pipeline_mode<synchronous>, transform_indices = @transform_7, window_bounds = array<i64: 1, 5120>}, {pipeline_mode = #tpu.pipeline_mode<synchronous>, transform_indices = @transform_8, window_bounds = array<i64: 1, 5120>}, {pipeline_mode = #tpu.pipeline_mode<synchronous>, transform_indices = @transform_9, window_bounds = array<i64: 1, 5120>}, {pipeline_mode = #tpu.pipeline_mode<synchronous>, transform_indices = @transform_10, window_bounds = array<i64: 5120, 8>}, {pipeline_mode = #tpu.pipeline_mode<synchronous>, transform_indices = @transform_11, window_bounds = array<i64: 5120, 8>}]} {
    %eq3A = arith.constant 0 : i32
    %eq3A_0 = arith.cmpi eq, %arg0, %eq3A : i32
    %convert_element_type3A = arith.extui %eq3A_0 : i1 to i32
    %cond3A = arith.constant 0 : i32
    %cond3A_1 = arith.cmpi ne, %convert_element_type3A, %cond3A : i32
    scf.if %cond3A_1 {
      %broadcast_in_dim3A = arith.constant 0.000000e+00 : f32
      %broadcast_in_dim3A_7 = vector.broadcast %broadcast_in_dim3A : f32 to vector<5120x1xf32>
      %swap3A_8 = arith.constant 0 : index
      %swap3A_9 = arith.constant 0 : index
      %swap3A_10 = vector.load %arg13[%swap3A_8, %swap3A_9] : memref<5120x1xf32, #tpu.memory_space<vmem>>, vector<5120x1xf32>
      tpu.vector_store %arg13[%swap3A_8, %swap3A_9], %broadcast_in_dim3A_7 {strides = array<i32>} : memref<5120x1xf32, #tpu.memory_space<vmem>>, vector<5120x1xf32>,
    } else {
    }
    %mul3A = arith.constant 512 : i32
    %mul3A_2 = arith.muli %arg0, %mul3A : i32
    %get3A = arith.index_cast %mul3A_2 : i32 to index
    %get3A_3 = arith.constant 0 : index
    %get3A_4 = vector.load %arg11[%get3A, %get3A_3] : memref<5120x8xf32, #tpu.memory_space<vmem>>, vector<512x8xf32>
    %swap3A = arith.index_cast %mul3A_2 : i32 to index
    %swap3A_5 = arith.constant 0 : index
    %swap3A_6 = vector.load %arg12[%swap3A, %swap3A_5] : memref<5120x8xf32, #tpu.memory_space<vmem>>, vector<512x8xf32>
    tpu.vector_store %arg12[%swap3A, %swap3A_5], %get3A_4 {strides = array<i32>} : memref<5120x8xf32, #tpu.memory_space<vmem>>, vector<512x8xf32>,
    return
  }
  func.func @transform_0(%arg0: i32) -> (i32, i32) {
    %c0_i32 = arith.constant 0 : i32
    %c0_i32_0 = arith.constant 0 : i32
    %c0_i32_1 = arith.constant 0 : i32
    return %c0_i32, %c0_i32_0 : i32, i32
  }
  func.func @transform_1(%arg0: i32) -> (i32, i32) {
    %c0_i32 = arith.constant 0 : i32
    %c0_i32_0 = arith.constant 0 : i32
    %c0_i32_1 = arith.constant 0 : i32
    return %c0_i32, %c0_i32_0 : i32, i32
  }
  func.func @transform_2(%arg0: i32) -> (i32, i32) {
    %c0_i32 = arith.constant 0 : i32
    %c0_i32_0 = arith.constant 0 : i32
    %c0_i32_1 = arith.constant 0 : i32
    return %c0_i32, %c0_i32_0 : i32, i32
  }
  func.func @transform_3(%arg0: i32) -> (i32, i32) {
    %c0_i32 = arith.constant 0 : i32
    %c0_i32_0 = arith.constant 0 : i32
    %c0_i32_1 = arith.constant 0 : i32
    return %c0_i32, %c0_i32_0 : i32, i32
  }
  func.func @transform_4(%arg0: i32) -> (i32, i32) {
    %c0_i32 = arith.constant 0 : i32
    %c0_i32_0 = arith.constant 0 : i32
    %c0_i32_1 = arith.constant 0 : i32
    return %c0_i32, %c0_i32_0 : i32, i32
  }
  func.func @transform_5(%arg0: i32) -> (i32, i32) {
    %c0_i32 = arith.constant 0 : i32
    %c0_i32_0 = arith.constant 0 : i32
    %c0_i32_1 = arith.constant 0 : i32
    return %c0_i32, %c0_i32_0 : i32, i32
  }
  func.func @transform_6(%arg0: i32) -> (i32, i32) {
    %c0_i32 = arith.constant 0 : i32
    %c0_i32_0 = arith.constant 0 : i32
    %c0_i32_1 = arith.constant 0 : i32
    return %c0_i32, %c0_i32_0 : i32, i32
  }
  func.func @transform_7(%arg0: i32) -> (i32, i32) {
    %c0_i32 = arith.constant 0 : i32
    %c0_i32_0 = arith.constant 0 : i32
    %c0_i32_1 = arith.constant 0 : i32
    return %c0_i32, %c0_i32_0 : i32, i32
  }
  func.func @transform_8(%arg0: i32) -> (i32, i32) {
    %c0_i32 = arith.constant 0 : i32
    %c0_i32_0 = arith.constant 0 : i32
    %c0_i32_1 = arith.constant 0 : i32
    return %c0_i32, %c0_i32_0 : i32, i32
  }
  func.func @transform_9(%arg0: i32) -> (i32, i32) {
    %c0_i32 = arith.constant 0 : i32
    %c0_i32_0 = arith.constant 0 : i32
    %c0_i32_1 = arith.constant 0 : i32
    return %c0_i32, %c0_i32_0 : i32, i32
  }
  func.func @transform_10(%arg0: i32) -> (i32, i32) {
    %c0_i32 = arith.constant 0 : i32
    %c0_i32_0 = arith.constant 0 : i32
    %c0_i32_1 = arith.constant 0 : i32
    return %c0_i32, %c0_i32_0 : i32, i32
  }
  func.func @transform_11(%arg0: i32) -> (i32, i32) {
    %c0_i32 = arith.constant 0 : i32
    %c0_i32_0 = arith.constant 0 : i32
    %c0_i32_1 = arith.constant 0 : i32
    return %c0_i32, %c0_i32_0 : i32, i32
  }
}

</mosaic_0001>

<sc_bundles>
// kernel: gather_offload_async_start
scs
__scs_entry_jumppad:
0x0: {  	(pc) =	sbr.rel $0x88, $3  }
0x1: {  	(tag) =	ssettag $0x0;
	lr =	simm.s32 $0x1  }
0x2: {  	[smem:$0x3F9E] =	sst lr;
	_ =	strace $0xD0000000  }
0x3: {  	_ = 	snop  }
0x4: {  	_ = 	snop  }
0x5: {  	_ = 	snop  }
0x6: {  	_ = 	snop  }
0x7: {  	_ = 	snop  }
__scs_overlays_trampoline_lowered:
0x8: {  	[smem:$0x3FAD] =	sst s0  }
0x9: {  	[smem:$0x3FAE] =	sst s1  }
0xa: {  	[smem:$0x3FAF] =	sst s2  }
0xb: {  	[smem:$0x3FB0] =	sst s3  }
0xc: {  	[smem:$0x3FB1] =	sst s4  }
0xd: {  	[smem:$0x3FB2] =	sst s5  }
0xe: {  	[smem:$0x3FB3] =	sst s6  }
0xf: {  	[smem:$0x3FB4] =	sst s7  }
0x10: {  	[smem:$0x3FB5] =	sst s8  }
0x11: {  	[smem:$0x3FB6] =	sst s9;
	s0 =	simm.s32 @!p0 $0x0  }
0x12: {  	s1 =	sld [smem:$0x3F9C];
	s0 =	simm.s32 @p0 $0x1  }
0x13: {  	[smem:$0x3FB7] =	sst s0;
	s0 =	simm.s32 @!p1 $0x0  }
0x14: {  	s2 =	sld [smem:$0x3F9B];
	s0 =	simm.s32 @p1 $0x1  }
0x15: {  	[smem:$0x3FB8] =	sst s0;
	s0 =	simm.s32 @!p2 $0x0  }
0x16: {  	s3 =	sld [smem:$0x3FDB];
	s0 =	simm.s32 @p2 $0x1  }
0x17: {  	s4 =	simm.s32 $0x1BF5;
	[smem:$0x3FBA] =	sst s0  }
0x18: {  	s0 =	sld [smem:$0x3F9D];
	_ =	swait.ge [sflag:s4], $0x0  }
0x19: {  	s7 =	sld [smem:$0x3F9E]  }
0x1a: {  	s8 =	sadd.s32 $0xFFFFE003, lr  }
0x1b: {  	s9 =	sadd.s32 $0xFFFFFEF7, lr;
	s5 =	simm.s32 $0xFFFFFFFF;
	p2 =	slt.u32 s8, $0xFFFFF086  }
0x1c: {  	p1 =	slt.u32 s9, $0xF7A;
	s5 =	simm.s32 @!p2 $0x0  }
0x1d: {  	s5 =	simm.s32 @p1 $0x1;
	p0 =	seq.s32 s7, s2  }
0x1e: {  	s7 =	smul.u32 @!p0 $0xF7A, s2;
	p2 =	seq.s32 @!p0 s5, $0x0  }
0x1f: {  	s9 =	smul.u32 $0xF7A, s1;
	s8 =	simm.s32 @!p0 $0x1BF5;
	p2 =	por !p2, p0  }
0x20: {  	[sflag:s8] =	ssyncset.s32 @!p0 $0xFFFFF086;
	s6 =	sadd.s32 @!p0 s3, s7;
	s7 =	simm.s32 @!p0 $0x108  }
0x21: {  	s3 =	sadd.s32 s3, s9;
	s6 =	sadd.s32 @!p0 $0x88, s6;
	s7 =	simm.s32 @p2 $0x1082  }
0x22: {  	[simem:s7], [sflag:s8] =	dma.local @!p0 [hbm:s6], $0xF7A  }
0x23: {  	s9 =	sor.u32 $0xD0000000, s2;
	s6 =	simm.s32 $0x108;
	_ =	swait.ge @!p0 [sflag:s8], $0x0  }
0x24: {  	s3 =	sadd.s32 $0x88, s3;
	s6 =	simm.s32 @!p1 $0x1082;
	[sflag:s4] =	ssyncset.s32 $0xFFFFF086  }
0x25: {  	[simem:s6], [sflag:s4] =	dma.local [hbm:s3], $0xF7A  }
0x26: {  	[smem:$0x3F9E] =	sst s1;
	(tag) =	ssettag s2;
	_ =	strace s9  }
0x27: {  	s1 =	sld [smem:$0x3FAE]  }
0x28: {  	s2 =	sld [smem:$0x3FAF]  }
0x29: {  	s4 =	sld [smem:$0x3FB1]  }
0x2a: {  	p0 =	seq.s32 s5, $0x0;
	s5 =	sld [smem:$0x3FB2]  }
0x2b: {  	s6 =	sld [smem:$0x3FB3]  }
0x2c: {  	s7 =	sld [smem:$0x3FB4]  }
0x2d: {  	s3 =	simm.s32 $0x108;
	s8 =	sld [smem:$0x3FB5]  }
0x2e: {  	s3 =	simm.s32 @!p0 $0x1082;
	s9 =	sld [smem:$0x3FB6]  }
0x2f: {  	lr =	sadd.s32 s0, s3;
	s0 =	sld [smem:$0x3FAD]  }
0x30: {  	s3 =	sld [smem:$0x3FB0]  }
0x31: {  	[smem:$0x3FB9] =	sst s10  }
0x32: {  	s10 =	sld [smem:$0x3FB7];
	_ =	sdelay $0x3  }
0x33: {  	p0 =	seq.s32 s10, $0x1;
	s10 =	sld [smem:$0x3FB9];
	_ =	sdelay $0x3  }
0x34: {  	[smem:$0x3FB9] =	sst s10  }
0x35: {  	s10 =	sld [smem:$0x3FB8];
	_ =	sdelay $0x3  }
0x36: {  	p1 =	seq.s32 s10, $0x1;
	s10 =	sld [smem:$0x3FB9];
	_ =	sdelay $0x3  }
0x37: {  	[smem:$0x3FB9] =	sst s10  }
0x38: {  	s10 =	sld [smem:$0x3FBA]  }
0x39: {  	_ = 	snop;
	(pc) =	sbr.ind lr, $3  }
0x3a: {  	_ = 	snop  }
0x3b: {  	_ = 	snop  }
0x3c: {  	p2 =	seq.s32 s10, $0x1;
	s10 =	sld [smem:$0x3FB9]  }
0x3d: {  	_ =	shalt  }
0x3e: {  	_ =	shalt  }
0x3f: {  	_ =	shalt  }
0x40: {  	_ =	shalt  }
0x41: {  	_ =	shalt  }
0x42: {  	_ =	shalt  }
0x43: {  	_ =	shalt  }
0x44: {  	_ =	shalt  }
0x45: {  	_ =	shalt  }
0x46: {  	_ =	shalt  }
0x47: {  	_ =	shalt  }
0x48: {  	_ =	shalt  }
0x49: {  	_ =	shalt  }
0x4a: {  	_ =	shalt  }
0x4b: {  	_ =	shalt  }
0x4c: {  	_ =	shalt  }
0x4d: {  	_ =	shalt  }
0x4e: {  	_ =	shalt  }
0x4f: {  	_ =	shalt  }
0x50: {  	_ =	shalt  }
0x51: {  	_ =	shalt  }
0x52: {  	_ =	shalt  }
0x53: {  	_ =	shalt  }
0x54: {  	_ =	shalt  }
0x55: {  	_ =	shalt  }
0x56: {  	_ =	shalt  }
0x57: {  	_ =	shalt  }
0x58: {  	_ =	shalt  }
0x59: {  	_ =	shalt  }
0x5a: {  	_ =	shalt  }
0x5b: {  	_ =	shalt  }
0x5c: {  	_ =	shalt  }
0x5d: {  	_ =	shalt  }
0x5e: {  	_ =	shalt  }
0x5f: {  	_ =	shalt  }
0x60: {  	_ =	shalt  }
0x61: {  	_ =	shalt  }
0x62: {  	_ =	shalt  }
0x63: {  	_ =	shalt  }
0x64: {  	_ =	shalt  }
0x65: {  	_ =	shalt  }
0x66: {  	_ =	shalt  }
0x67: {  	_ =	shalt  }
0x68: {  	_ =	shalt  }
0x69: {  	_ =	shalt  }
0x6a: {  	_ =	shalt  }
0x6b: {  	_ =	shalt  }
0x6c: {  	_ =	shalt  }
0x6d: {  	_ =	shalt  }
0x6e: {  	_ =	shalt  }
0x6f: {  	_ =	shalt  }
0x70: {  	_ =	shalt  }
0x71: {  	_ =	shalt  }
0x72: {  	_ =	shalt  }
0x73: {  	_ =	shalt  }
0x74: {  	_ =	shalt  }
0x75: {  	_ =	shalt  }
0x76: {  	_ =	shalt  }
0x77: {  	_ =	shalt  }
0x78: {  	_ =	shalt  }
0x79: {  	_ =	shalt  }
0x7a: {  	_ =	shalt  }
0x7b: {  	_ =	shalt  }
0x7c: {  	_ =	shalt  }
0x7d: {  	_ =	shalt  }
0x7e: {  	_ =	shalt  }
0x7f: {  	_ =	shalt  }
0x80: {  	_ =	shalt  }
0x81: {  	_ =	shalt  }
0x82: {  	_ =	shalt  }
0x83: {  	_ =	shalt  }
0x84: {  	_ =	shalt  }
0x85: {  	_ =	shalt  }
0x86: {  	_ =	shalt  }
0x87: {  	_ =	shalt  }
.Lfunc_end0:
.L_simem_size_0:
called_computation_lowered:
.L_overlay_start_0:
0x88: {  	s0 =	sld [smem:$0x3FD9]  }
0x89: {  	s1 =	sld [smem:$0x3FFE];
	_ =	sdelay $0x3  }
0x8a: {  	s0 =	sadd.s32 s1, s0  }
0x8b: {  	[smem:$0x3FC5] =	sst s0  }
0x8c: {  	_ = 	snop  }
0x8d: {  	s0 =	sld [smem:$0x3FD0];
	(tm) =	ssettm $0x1  }
0x8e: {  	s16 =	sld [smem:$0x3FFB];
	_ =	sdelay $0x3  }
0x8f: {  	_ =	strace s16  }
0x90: {  	s1 =	sld [smem:$0x3FFC];
	_ =	sdelay $0x3  }
0x91: {  	_ =	strace s1  }
0x92: {  	s1 =	sld [smem:$0x3FFD];
	_ =	sdelay $0x3  }
0x93: {  	_ =	strace s1  }
0x94: {  	_ =	strace $0x8FFFFFFF  }
0x95: {  	s17 =	sld [smem:$0x3FDB];
	_ =	sdelay $0x1  }
0x96: {  	s2 =	simm.s32 $_scs_section_size  }
0x97: {  	s3 =	simm.s32 $_size__tile_overlayer_lowered;
	s4 =	simm.s32 $_tile_overlayer_lowered  }
0x98: {  	s20 =	simm.s32 $0x1BFF;
	s19 =	sshll.u32 s4, $0x1;
	s1 =	sadd.s32 s2, s17  }
0x99: {  	s5 =	simm.s32 $0x0;
	s18 =	sshll.u32 s3, $0x1;
	s3 =	sadd.s32 s19, s1  }
0x9a: {  	[timem:s5], [sflag:s20] =	dma.local [hbm:s3], s18  }
0x9b: {  	_ =	swait.ge [sflag:s20], s18  }
0x9c: {  	s2 =	ssub.s32 $0x0, s18;
	[sflag:s20] =	ssyncset.done $0x0  }
0x9d: {  	[sflag:s20] =	ssyncadd.s32 s2;
	_ =	sdelay $0x1  }
0x9e: {  	s21 =	simm.s32 $0x1B8B  }
0x9f: {  	_ =	swait.ge [sflag:s21], $0x1  }
0xa0: {  	[sflag:s21] =	ssyncset.done $0x0  }
0xa1: {  	s23 =	simm.s32 $0x1B8E;
	s22 =	sld [smem:$0x3FFE];
	[sflag:s21] =	ssyncadd.s32 $0xFFFFFFFF  }
0xa2: {  	s24 =	simm.s32 $execute0_lowered;
	[smem:$0x3FD2] =	sst s23  }
0xa3: {  	s3 =	sshll.u32 s24, $0x1;
	_ =	strace $0x80000046;
	[dreg:$0x1] =	wrdreg $0xFFFFFFFF  }
0xa4: {  	s25 =	simm.s32 $_size_execute0_lowered;
	s1 =	sadd.s32 s1, s3;
	[dreg:$0x0] =	wrdreg $0x0  }
0xa5: {  	s3 =	sshll.u32 s25, $0x1;
	[dreg:$0x2] =	wrdreg s1  }
0xa6: {  	[dreg:$0x3] =	wrdreg s3  }
0xa7: {  	[dreg:$0x4] =	wrdreg $0xC0  }
0xa8: {  	_ =	task [dreg:s5], $0x5FFFF  }
0xa9: {  	[dreg:$0x1] =	wrdreg $0xFFFFFFFF  }
0xaa: {  	[dreg:$0x0] =	wrdreg $0x60  }
0xab: {  	[dreg:$0x2] =	wrdreg s22  }
0xac: {  	[dreg:$0x3] =	wrdreg s0  }
0xad: {  	[dreg:$0x4] =	wrdreg $0x9  }
0xae: {  	_ =	task.clear_ibuf [dreg:s5], $0x5FFFF;
	_ =	strace $0x90000046  }
0xaf: {  	s26 =	simm.s32 $0x9;
	_ =	strace $0x80000048  }
0xb0: {  	_ =	swait.ge [sflag:s26], $0x1  }
0xb1: {  	[sflag:s26] =	ssyncadd.s32 $0xFFFFFFFF  }
0xb2: {  	_ =	strace $0x90000048  }
0xb3: {  	_ =	sfence  }
0xb4: {  	s28 =	sld [smem:$0x0];
	_ =	sdelay $0x1  }
0xb5: {  	s29 =	srdreg.scid  }
0xb6: {  	s30 =	sshll.u32 s29, $0xD;
	s31 =	sshrl.u32 s29, $0x2  }
0xb7: {  	s2 =	sand.u32 $0x4000, s30;
	s1 =	sand.u32 $0x1, s29;
	s0 =	sadd.s32 s31, s28  }
0xb8: {  	s1 =	sor.u32 s2, s1;
	s0 =	sshll.u32 s0, $0x11  }
0xb9: {  	s0 =	sor.u32 s0, s1  }
0xba: {  	s0 =	sadd.s32 $0x8F2B, s0  }
0xbb: {  	[sflag:s0] =	ssyncadd.remote.s32 $0x1  }
0xbc: {  	_ =	sfence.sel $0xFFFF  }
0xbd: {  	[dreg:$0x0] =	wrdreg $0xFFFFFFFF;
	(pc) =	sbr.abs _section_cstart, $3  }
0xbe: {  	[dreg:$0x1] =	wrdreg $0xFFFFFFFF  }
0xbf: {  	_ =	task.clear_ibuf [dreg:s5], $0x2FFFF;
	_ =	strace $0x9FFFFFFF  }
0xc0: {  	(tm) =	ssettm $0x7FFFFFFF  }
0xc1: {  	_ =	shalt  }
tec
execute0_lowered:
.L_overlay_start_1:
0x0: {  	(tag) =	ssettag $0x1  }
0x1: {  	s0 =	stileid.u32  }
0x2: {  	s1 =	smin.u32 s0, $0x9  }
0x3: {  	s1 =	sadd.s32 s0, s1  }
0x4: {  	s2 =	simm.s32 $0x190;
	p0 =	slt.u32 s0, $0x9;
	s1 =	smul.u32 $0xC8, s1  }
0x5: {  	s2 =	simm.s32 @!p0 $0xC8  }
0x6: {  	s2 =	sadd.s32 s2, s1  }
0x7: {  	s3 =	smin.u32 s2, $0x1388  }
0x8: {  	s7 =	ssub.s32 s3, s1  }
0x9: {  	p0 =	sgt.s32 s7, $0x0  }
0xa: {  	s7 =	simm.s32 @!p0 $0x0  }
0xb: {  	s31 =	sand.u32 $0xFFF8, s7  }
0xc: {  	s2 =	sshrl.u32 s31, $0x3  }
0xd: {  	s9 =	rddreg [dreg:$0x0];
	s2 =	smul.u32 $0x147B, s2  }
0xe: {  	s4 =	rddreg [dreg:$0x1];
	s6 =	simm.s32 $0x1  }
0xf: {  	s11 =	simm.s32 $0x3;
	s13 =	simm.s32 $0x0;
	s8 =	sshrl.u32 s2, $0x11  }
0x10: {  	s12 =	simm.s32 $0x0;
	s5 =	sadd.s32 $0x600, s9;
	s10 =	smul.u32 $0xC8, s8  }
.Ltmp0:
0x11: {  	s9 =	sadd.s32 $0x14000, s9;
	s2 =	rddreg [dreg:$0x2];
	(pc) =	sbr.rel .LBB2_1-.Ltmp0, $4  }
0x12: {  	_ =	strace $0x80000047;
	p0 =	sne.s32 s7, s10;
	s10 =	simm.s32 $0x1  }
0x13: {  	[sflag:s6] =	ssyncpa.u1 $0x0;
	s7 =	simm.s32 $0x2;
	s10 =	simm.s32 @!p0 $0x0  }
0x14: {  	[sflag:s7] =	ssyncpa.u1 $0x0;
	p0 =	por $0x0, $0x0;
	s8 =	sadd.s32 s8, s10  }
0x15: {  	vm0 =	vmmov $0xff;
	vm1 =	vcmask $0x3F20;
	[sflag:s11] =	ssyncpa.u1 $0x0;
	s11 =	smov.u32 s1;
	s10 =	sadd.s32 $0x1, s8  }
.LBB2_6:
0x16: {  	[hbm:s17] =	stream.linear.scatter [tilespmem:s14], [sflag:$0x3], $0x400, $0x38;
	[tilespmem:$0xC990] =	vst v63  }
.LBB2_7:
0x17: {  	s13 =	sadd.s32 $0xC8, s11  }
0x18: {  	s15 =	smov.u32 s1;
	p2 =	slt.s32 s13, s3  }
0x19: {  	s15 =	smov.u32 @p2 s13;
	p2 =	sne.s32 s12, s10  }
.Ltmp1:
0x1a: {  	p1 =	slt.u32 s12, $0x2;
	(pc) =	sbr.rel @!p2 .LBB2_8-.Ltmp1, $4  }
0x1b: {  	s14 =	simm.s32 @!p1 $0x3  }
0x1c: {  	s16 =	sadd.s32 $0x1, s12;
	_ =	swait.ge @!p1 [sflag:s14], $0x6400  }
0x1d: {  	p0 =	por !p0, !p0;
	s13 =	smov.u32 s11;
	[sflag:s14] =	ssyncset.done @!p1 $0x0  }
0x1e: {  	s12 =	smov.u32 s16;
	s11 =	smov.u32 s15;
	[sflag:s14] =	ssyncadd.s32 @!p1 $0xFFFF9C00  }
.LBB2_1:
0x1f: {  	p1 =	sge.u32 s12, s8  }
0x20: {  	s14 =	sxor.u32 @!p1 $0xFFFFFFFF, s12  }
0x21: {  	s14 =	sand.u32 @!p1 $0x1, s14  }
0x22: {  	s14 =	smul.u32 @!p1 $0x320, s14  }
0x23: {  	s31 =	sadd.s32 $0xFFFFFFFF, s12;
	s15 =	sshrl.u32 @!p1 s11, $0x3  }
0x24: {  	s16 =	sand.u32 @!p1 $0x7, s11;
	s15 =	sadd.s32 @!p1 s4, s15;
	s14 =	sshrl.u32 @!p1 s14, $0x2  }
0x25: {  	[tilespmem:s14], [sflag:$0x2] =	stream.linear.gather @!p1 [hbm4b:s15+s16], $0xC8, $0x38;
	[tilespmem:$0xC990] =	vst v63  }
0x26: {  	p1 =	sge.u32 s31, s8  }
.Ltmp2:
0x27: {  	_ = 	snop;
	(pc) =	sbr.rel @p1 .LBB2_7-.Ltmp2, $1  }
0x28: {  	_ =	sdelay $0x3  }
0x29: {  	s14 =	simm.s32 $0x1  }
0x2a: {  	s14 =	simm.s32 @!p0 $0x0  }
0x2b: {  	s15 =	smul.u32 $0x320, s14  }
0x2c: {  	_ =	swait.ge [sflag:s7], $0xC8  }
0x2d: {  	[sflag:s7] =	ssyncset.done $0x0;
	s16 =	sshrl.u32 s15, $0x2  }
0x2e: {  	[sflag:s7] =	ssyncadd.s32 $0xFFFFFF38;
	s15 =	sadd.s32 $0x0, s16  }
0x2f: {  	v0 =	vld.msk [tilespmem:s15+$0x0 ss:$0x1], $0xffff;
	_ =	sdelay $0x4  }
0x30: {  	vm2 =	vgt.s32 v0, $0x0  }
0x31: {  	v0 =	vnsel vm2, $0x0, v0  }
0x32: {  	v0 =	vmin.u32 v0, $0x1387  }
0x33: {  	v0 =	vshll.u32 v0, $0x4  }
0x34: {  	s14 =	smul.u32 $0x19000, s14  }
0x35: {  	s31 =	sand.u32 $0x1, s12  }
0x36: {  	s17 =	smul.u32 $0x320, s31;
	s14 =	sshrl.u32 s14, $0x2  }
0x37: {  	s19 =	smul.u32 $0x19000, s31;
	s14 =	sor.u32 $0x190, s14  }
0x38: {  	[tilespmem:s14], [sflag:$0x1] =	stream.indirect_vreg.gather [hbm:s5], $0x80, v0, vm0, $0x38;
	[tilespmem:$0xC990] =	vst v63  }
0x39: {  	s18 =	sshrl.u32 s17, $0x2;
	s20 =	sadd.s32 $0x10, s16;
	s15 =	sadd.s32 $0x400, s14  }
0x3a: {  	[tilespmem:s15], [sflag:$0x1] =	stream.indirect_vreg.gather [hbm:s5], $0x80, v0, vm1, $0x38;
	[tilespmem:$0xC990] =	vst v63  }
0x3b: {  	s17 =	sshrl.u32 s19, $0x2;
	s19 =	smov.u32 s14;
	v0 =	vld.msk [tilespmem:s20+$0x0 ss:$0x1], $0xffff;
	s20 =	simm.s32 $0x80  }
.LBB2_3:
0x3c: {  	p1 =	sne.s32 s20, $0x2C0;
	_ =	sdelay $0x4  }
0x3d: {  	vm2 =	vgt.s32 v0, $0x0  }
0x3e: {  	v0 =	vnsel vm2, $0x0, v0  }
0x3f: {  	v0 =	vmin.u32 v0, $0x1387  }
0x40: {  	v0 =	vshll.u32 v0, $0x4;
	_ =	sdelay $0x3  }
.Ltmp3:
0x41: {  	s21 =	sshra.s32 s20, $0x2;
	s19 =	sadd.s32 $0x800, s19;
	(pc) =	sbr.rel @p1 .LBB2_3-.Ltmp3, $4  }
0x42: {  	[tilespmem:s19], [sflag:$0x1] =	stream.indirect_vreg.gather [hbm:s5], $0x80, v0, vm0, $0x38;
	[tilespmem:$0xC990] =	vst v63  }
0x43: {  	s21 =	sadd.s32 s21, s16;
	s22 =	sadd.s32 $0x400, s19  }
0x44: {  	[tilespmem:s22], [sflag:$0x1] =	stream.indirect_vreg.gather [hbm:s5], $0x80, v0, vm1, $0x38;
	[tilespmem:$0xC990] =	vst v63  }
0x45: {  	s20 =	sadd.s32 $0x40, s20;
	v0 =	vld.msk [tilespmem:s21+$0x0 ss:$0x1], $0xffff  }
0x46: {  	_ =	sdelay $0x3  }
0x47: {  	vm2 =	vgt.s32 v0, $0x0  }
0x48: {  	v0 =	vnsel vm2, $0x0, v0  }
0x49: {  	v0 =	vmin.u32 v0, $0x1387  }
0x4a: {  	v0 =	vshll.u32 v0, $0x4;
	_ =	sdelay $0x3  }
0x4b: {  	s16 =	sadd.s32 $0x800, s19  }
0x4c: {  	[tilespmem:s16], [sflag:$0x1] =	stream.indirect_vreg.gather [hbm:s5], $0x80, v0, vm0, $0x38;
	[tilespmem:$0xC990] =	vst v63  }
0x4d: {  	s16 =	sadd.s32 $0x400, s16  }
0x4e: {  	[tilespmem:s16], [sflag:$0x1] =	stream.indirect_vreg.gather [hbm:s5], $0x80, v0, vm1, $0x38;
	[tilespmem:$0xC990] =	vst v63  }
0x4f: {  	v0 =	vld.msk [tilespmem:s18+$0xC0 ss:$0x1], $0xff;
	_ =	sdelay $0x4  }
0x50: {  	vm2 =	vgt.s32 v0, $0x0  }
0x51: {  	v0 =	vnsel vm2, $0x0, v0  }
0x52: {  	v0 =	vmin.u32 v0, $0x1387  }
0x53: {  	v0 =	vshll.u32 v0, $0x4;
	_ =	sdelay $0x3  }
0x54: {  	s31 =	sadd.s32 $0x6190, s17  }
0x55: {  	[tilespmem:s31], [sflag:$0x1] =	stream.indirect_vreg.gather [hbm:s5], $0x80, v0, vm0, $0x38;
	[tilespmem:$0xC990] =	vst v63  }
0x56: {  	s13 =	sshll.u32 s13, $0x4;
	_ =	swait.ge [sflag:s6], $0x6400  }
0x57: {  	s13 =	sadd.s32 s13, s9;
	[sflag:s6] =	ssyncset.done $0x0  }
0x58: {  	s17 =	sadd.s32 $0x0, s13;
	s16 =	simm.s32 $0x80;
	[sflag:s6] =	ssyncadd.s32 $0xFFFF9C00  }
.LBB2_5:
0x59: {  	[hbm:s17] =	stream.linear.scatter [tilespmem:s14], [sflag:$0x3], $0x400, $0x38;
	[tilespmem:$0xC990] =	vst v63  }
0x5a: {  	s17 =	smov.u32 s16;
	s14 =	smov.u32 s15;
	p1 =	sne.s32 s16, $0xC00  }
.Ltmp4:
0x5b: {  	s16 =	sadd.s32 $0x80, s16;
	(pc) =	sbr.rel @p1 .LBB2_5-.Ltmp4, $2  }
0x5c: {  	_ =	sdelay $0x2  }
0x5d: {  	s15 =	sadd.s32 $0x400, s15;
	s17 =	sadd.s32 s17, s13  }
.Ltmp5:
0x5e: {  	_ = 	snop;
	(pc) =	sbr.rel .LBB2_6-.Ltmp5, $1  }
0x5f: {  	_ =	sdelay $0x3  }
.LBB2_8:
0x60: {  	_ =	sfence.sel $0x180000  }
0x61: {  	s1 =	simm.s32 $0x2;
	[bflag:$0x0] =	sbarrier.arrive $0xFFFF  }
0x62: {  	s30 =	simm.s32 $0x3;
	[sflag:s1] =	ssyncpa.u1 $0x1  }
0x63: {  	s31 =	simm.s32 $0x1;
	[sflag:s30] =	ssyncpa.u1 $0x1  }
0x64: {  	[sflag:s31] =	ssyncpa.u1 $0x1  }
0x65: {  	p0 =	sne.s32 s0, $0x0;
	_ =	strace $0x90000047  }
0x66: {  	s0 =	sadd.s32 @!p0 $0x100000, s2;
	[bflag:$0x2] =	sbarrier.arrive $0xFFFF  }
0x67: {  	[sflag:s0] =	ssyncadd.tile.s32 @!p0 $0x1;
	_ =	shalt  }
.Lfunc_end2:
_tile_overlayer_lowered:
.L_overlay_start_2:
0x68: {  	(tag) =	ssettag $0x2  }
0x69: {  	s0 =	rddreg [dreg:$0x0];
	s2 =	stileid.u32  }
0x6a: {  	s1 =	rddreg [dreg:$0x1];
	p0 =	sne.s32 s2, $0x0  }
0x6b: {  	s3 =	rddreg [dreg:$0x2];
	[bflag:$0x3] =	sbarrier.arrive $0xFFFF;
	s2 =	simm.s32 @!p0 $0x1C01  }
0x6c: {  	[timem:s3], [sflag:s2] =	dma.local @!p0 [hbm:s0], s1  }
0x6d: {  	s0 =	simm.s32 @!p0 $0x1  }
0x6e: {  	_ =	swait.ge @!p0 [sflag:s0], s1  }
0x6f: {  	s1 =	ssub.s32 @!p0 $0x0, s1;
	[sflag:s0] =	ssyncset.done @!p0 $0x0  }
0x70: {  	[sflag:s0] =	ssyncadd.s32 @!p0 s1  }
0x71: {  	[bflag:$0x3] =	sbarrier.arrive $0xFFFF  }
0x72: {  	_ =	shalt  }

</sc_bundles>
